<compile_context>
chip_gen: v7x
topology: tpu7x:2x2x1
jax: 0.10.2.dev20260603
libtpu: 0.0.44.dev20260713+nightly
codegen_flags: <defaults>
</compile_context>

<pallas_src>
import functools

import jax
import jax.numpy as jnp
from jax import lax
from jax.experimental import pallas as pl
from jax.experimental.pallas import tpu as pltpu
from jax.experimental.pallas import tpu_sc as plsc

_NC = 2
_NS = 16
_NW = _NC * _NS

_TOTAL = 4 * 4096 * 2048
_PER_W = _TOTAL // _NW
_CH = 16384
_NCH = _PER_W // _CH
_NBUF = 4
_K = _NBUF // 2
_NG = _NCH // _NBUF

_mesh = plsc.VectorSubcoreMesh(core_axis_name="c", subcore_axis_name="s")


@functools.partial(
    pl.kernel,
    mesh=_mesh,
    out_type=jax.ShapeDtypeStruct((_TOTAL,), jnp.float32),
    scratch_types=(
        [pltpu.VMEM_SHARED((_NS, _NBUF, _CH), jnp.float32)]
        + [pltpu.SemaphoreType.DMA] * (2 * _NBUF)
    ),
)
def _sc_copy(x_hbm, o_hbm, buf, *sems):
    isems = sems[:_NBUF]
    osems = sems[_NBUF:]
    sid = lax.axis_index("s")
    wid = sid * _NC + lax.axis_index("c")
    base = wid * _PER_W

    def in_cp(idx, b):
        return pltpu.make_async_copy(
            x_hbm.at[pl.ds(base + idx * _CH, _CH)], buf.at[sid, b], isems[b])

    def out_cp(idx, b):
        return pltpu.make_async_copy(
            buf.at[sid, b], o_hbm.at[pl.ds(base + idx * _CH, _CH)], osems[b])

    for b in range(_K):
        in_cp(b, b).start()

    def group(g, carry):
        i0 = g * _NBUF
        for b in range(_NBUF):
            idx = i0 + b
            in_cp(idx, b).wait()
            out_cp(idx, b).start()

            ob = (b + _K) % _NBUF

            @pl.when(idx >= _K)
            def _():
                out_cp(idx - _K, ob).wait()

            @pl.when(idx + _K < _NCH)
            def _():
                in_cp(idx + _K, ob).start()

        return carry

    lax.fori_loop(0, _NG, group, 0)
    for t in range(_K):
        idx = _NCH - _K + t
        out_cp(idx, idx % _NBUF).wait()


def kernel(x):
    b, s, d = x.shape
    out = _sc_copy(x.reshape(-1))
    return out.reshape(b, s, d)

# --- scband reference (transcript-rebuilt; emitter-appended) ---
"""Pipeline reference for scband-prune-layer-48507360641139 (READ-ONLY COPY).

The authoritative reference and input builder live on the scoring server;
editing this copy changes nothing except your own understanding.
"""

import jax, jax.numpy as jnp
import numpy as np

SPARSITY = 0.5


def _unstructured_prune_mask(inp_list, sparsity):
    # faithful port of unstructured_prune_callback
    inp = jnp.concatenate([v[None, ...] for v in inp_list], axis=0)
    saliency = jnp.abs(inp).mean(axis=0)
    values = jnp.sort(saliency.flatten())
    n = values.shape[0]
    idx = max(int(sparsity * n - 1), 0)
    threshold = values[idx]
    mask = saliency >= threshold
    return mask


def setup_inputs(seed: int = 0) -> dict:
    key = jax.random.key(seed)
    x = jax.random.normal(key, (4, 4096, 2048), dtype=jnp.float32)
    return {"x": x}


def reference(x):
    # --- lazy init path (first forward call, module just constructed) ---
    # m_example determines mask SHAPE only; mask is initialized to all ones
    m_example = _unstructured_prune_mask([x], 0.0)
    mask = jnp.ones(m_example.shape, dtype=bool)
    # _n_updates = 0 <= start (1000), so no pruning schedule fires; buffer
    # append condition (0 <= schedule - 0 <= buffer_size=1) is false since
    # min schedule is 2000. Output is x * mask broadcast over batch dim.
    return x * mask

if __name__ == "__main__":
    import jax
    _d = setup_inputs()
    print(jax.jit(kernel)(*tuple(_d.values())))

</pallas_src>

<mosaic_0001>
#map = affine_map<(d0, d1) -> (0)>
module attributes {stable_mosaic.version = 14 : i64} {
  func.func @_sc_copy(%arg0: i32, %arg1: i32, %arg2: memref<33554432xf32, #tpu.memory_space<hbm>>, %arg3: memref<33554432xf32, #tpu.memory_space<hbm>>, %arg4: memref<16x4x16384xf32, #tpu.memory_space<vmem_shared>>, %arg5: memref<!tpu.dma_semaphore, #tpu.memory_space<semaphore_mem>>, %arg6: memref<!tpu.dma_semaphore, #tpu.memory_space<semaphore_mem>>, %arg7: memref<!tpu.dma_semaphore, #tpu.memory_space<semaphore_mem>>, %arg8: memref<!tpu.dma_semaphore, #tpu.memory_space<semaphore_mem>>, %arg9: memref<!tpu.dma_semaphore, #tpu.memory_space<semaphore_mem>>, %arg10: memref<!tpu.dma_semaphore, #tpu.memory_space<semaphore_mem>>, %arg11: memref<!tpu.dma_semaphore, #tpu.memory_space<semaphore_mem>>, %arg12: memref<!tpu.dma_semaphore, #tpu.memory_space<semaphore_mem>>) attributes {dimension_semantics = [#tpu.dimension_semantics<core_parallel>, #tpu.dimension_semantics<subcore_parallel>], iteration_bounds = array<i64: 2, 16>, scalar_prefetch = 0 : i64, scratch_operands = 9 : i64, tpu.core_type = #tpu.core_type<sc_vector_subcore>, window_params = [{transform_indices = #map}, {transform_indices = #map}]} {
    %mul3A = arith.constant 2 : i32
    %mul3A_0 = arith.muli %arg1, %mul3A : i32
    %add3A = arith.addi %mul3A_0, %arg0 : i32
    %mul3A_1 = arith.constant 1048576 : i32
    %mul3A_2 = arith.muli %add3A, %mul3A_1 : i32
    %add3A_3 = arith.constant 0 : i32
    %add3A_4 = arith.addi %mul3A_2, %add3A_3 : i32
    %dma_start3A = arith.constant 0 : i32
    %dma_start3A_5 = arith.constant 0 : i32
    %dma_start3A_6 = tpu.memref_slice %arg4[%arg1, %dma_start3A, %dma_start3A_5] : memref<16x4x16384xf32, #tpu.memory_space<vmem_shared>> -> memref<1x1x16384xf32, #tpu.memory_space<vmem_shared>>
    %dma_start3A_7 = tpu.memref_squeeze %dma_start3A_6 : memref<1x1x16384xf32, #tpu.memory_space<vmem_shared>> -> memref<16384xf32, #tpu.memory_space<vmem_shared>>
    %dma_start3A_8 = tpu.memref_slice %arg2[%add3A_4] : memref<33554432xf32, #tpu.memory_space<hbm>> -> memref<16384xf32, #tpu.memory_space<hbm>>
    tpu.enqueue_dma source(%dma_start3A_8 : memref<16384xf32, #tpu.memory_space<hbm>>) target(%dma_start3A_7 : memref<16384xf32, #tpu.memory_space<vmem_shared>>) target_semaphore(%arg5 : memref<!tpu.dma_semaphore, #tpu.memory_space<semaphore_mem>>)
    %add3A_9 = arith.constant 16384 : i32
    %add3A_10 = arith.addi %mul3A_2, %add3A_9 : i32
    %dma_start3A_11 = arith.constant 1 : i32
    %dma_start3A_12 = arith.constant 0 : i32
    %dma_start3A_13 = tpu.memref_slice %arg4[%arg1, %dma_start3A_11, %dma_start3A_12] : memref<16x4x16384xf32, #tpu.memory_space<vmem_shared>> -> memref<1x1x16384xf32, #tpu.memory_space<vmem_shared>>
    %dma_start3A_14 = tpu.memref_squeeze %dma_start3A_13 : memref<1x1x16384xf32, #tpu.memory_space<vmem_shared>> -> memref<16384xf32, #tpu.memory_space<vmem_shared>>
    %dma_start3A_15 = tpu.memref_slice %arg2[%add3A_10] : memref<33554432xf32, #tpu.memory_space<hbm>> -> memref<16384xf32, #tpu.memory_space<hbm>>
    tpu.enqueue_dma source(%dma_start3A_15 : memref<16384xf32, #tpu.memory_space<hbm>>) target(%dma_start3A_14 : memref<16384xf32, #tpu.memory_space<vmem_shared>>) target_semaphore(%arg6 : memref<!tpu.dma_semaphore, #tpu.memory_space<semaphore_mem>>)
    %scan3A = arith.constant 0 : i32
    %scan3A_16 = arith.constant 0 : i32
    %scan3A_17 = arith.constant 16 : i32
    %scan3A_18 = arith.addi %scan3A_16, %scan3A_17 : i32
    %scan3A_19 = arith.constant 1 : i32
    scf.for %scan3A_34 = %scan3A_16 to %scan3A_18 step %scan3A_19  : i32 {
      %mul3A_35 = arith.constant 4 : i32
      %mul3A_36 = arith.muli %scan3A_34, %mul3A_35 : i32
      %add3A_37 = arith.constant 0 : i32
      %add3A_38 = arith.addi %mul3A_36, %add3A_37 : i32
      %mul3A_39 = arith.constant 16384 : i32
      %mul3A_40 = arith.muli %add3A_38, %mul3A_39 : i32
      %add3A_41 = arith.addi %mul3A_2, %mul3A_40 : i32
      %dma_wait3A_42 = arith.constant 0 : i32
      %dma_wait3A_43 = arith.constant 0 : i32
      %dma_wait3A_44 = tpu.memref_slice %arg4[%arg1, %dma_wait3A_42, %dma_wait3A_43] : memref<16x4x16384xf32, #tpu.memory_space<vmem_shared>> -> memref<1x1x16384xf32, #tpu.memory_space<vmem_shared>>
      %dma_wait3A_45 = tpu.memref_squeeze %dma_wait3A_44 : memref<1x1x16384xf32, #tpu.memory_space<vmem_shared>> -> memref<16384xf32, #tpu.memory_space<vmem_shared>>
      %dma_wait3A_46 = tpu.memref_slice %arg2[%add3A_41] : memref<33554432xf32, #tpu.memory_space<hbm>> -> memref<16384xf32, #tpu.memory_space<hbm>>
      tpu.wait_dma2 semaphore(%arg5 : memref<!tpu.dma_semaphore, #tpu.memory_space<semaphore_mem>>) src(%dma_wait3A_46 : memref<16384xf32, #tpu.memory_space<hbm>>) dst(%dma_wait3A_45 : memref<16384xf32, #tpu.memory_space<vmem_shared>>)
      %mul3A_47 = arith.constant 16384 : i32
      %mul3A_48 = arith.muli %add3A_38, %mul3A_47 : i32
      %add3A_49 = arith.addi %mul3A_2, %mul3A_48 : i32
      %dma_start3A_50 = arith.constant 0 : i32
      %dma_start3A_51 = tpu.memref_slice %arg3[%add3A_49] : memref<33554432xf32, #tpu.memory_space<hbm>> -> memref<16384xf32, #tpu.memory_space<hbm>>
      %dma_start3A_52 = arith.constant 0 : i32
      %dma_start3A_53 = tpu.memref_slice %arg4[%arg1, %dma_start3A_50, %dma_start3A_52] : memref<16x4x16384xf32, #tpu.memory_space<vmem_shared>> -> memref<1x1x16384xf32, #tpu.memory_space<vmem_shared>>
      %dma_start3A_54 = tpu.memref_squeeze %dma_start3A_53 : memref<1x1x16384xf32, #tpu.memory_space<vmem_shared>> -> memref<16384xf32, #tpu.memory_space<vmem_shared>>
      tpu.enqueue_dma source(%dma_start3A_54 : memref<16384xf32, #tpu.memory_space<vmem_shared>>) target(%dma_start3A_51 : memref<16384xf32, #tpu.memory_space<hbm>>) target_semaphore(%arg9 : memref<!tpu.dma_semaphore, #tpu.memory_space<semaphore_mem>>)
      %ge3A = arith.constant 2 : i32
      %ge3A_55 = arith.cmpi sge, %add3A_38, %ge3A : i32
      %convert_element_type3A = arith.extui %ge3A_55 : i1 to i32
      %cond3A = arith.constant 0 : i32
      %cond3A_56 = arith.cmpi ne, %convert_element_type3A, %cond3A : i32
      scf.if %cond3A_56 {
        %sub3A = arith.constant 2 : i32
        %sub3A_153 = arith.subi %add3A_38, %sub3A : i32
        %mul3A_154 = arith.constant 16384 : i32
        %mul3A_155 = arith.muli %sub3A_153, %mul3A_154 : i32
        %add3A_156 = arith.addi %mul3A_2, %mul3A_155 : i32
        %dma_wait3A_157 = arith.constant 2 : i32
        %dma_wait3A_158 = tpu.memref_slice %arg3[%add3A_156] : memref<33554432xf32, #tpu.memory_space<hbm>> -> memref<16384xf32, #tpu.memory_space<hbm>>
        %dma_wait3A_159 = arith.constant 0 : i32
        %dma_wait3A_160 = tpu.memref_slice %arg4[%arg1, %dma_wait3A_157, %dma_wait3A_159] : memref<16x4x16384xf32, #tpu.memory_space<vmem_shared>> -> memref<1x1x16384xf32, #tpu.memory_space<vmem_shared>>
        %dma_wait3A_161 = tpu.memref_squeeze %dma_wait3A_160 : memref<1x1x16384xf32, #tpu.memory_space<vmem_shared>> -> memref<16384xf32, #tpu.memory_space<vmem_shared>>
        tpu.wait_dma2 semaphore(%arg11 : memref<!tpu.dma_semaphore, #tpu.memory_space<semaphore_mem>>) src(%dma_wait3A_161 : memref<16384xf32, #tpu.memory_space<vmem_shared>>) dst(%dma_wait3A_158 : memref<16384xf32, #tpu.memory_space<hbm>>)
      } else {
      }
      %add3A_57 = arith.constant 2 : i32
      %add3A_58 = arith.addi %add3A_38, %add3A_57 : i32
      %lt3A = arith.constant 64 : i32
      %lt3A_59 = arith.cmpi slt, %add3A_58, %lt3A : i32
      %convert_element_type3A_60 = arith.extui %lt3A_59 : i1 to i32
      %cond3A_61 = arith.constant 0 : i32
      %cond3A_62 = arith.cmpi ne, %convert_element_type3A_60, %cond3A_61 : i32
      scf.if %cond3A_62 {
        %add3A_153 = arith.constant 2 : i32
        %add3A_154 = arith.addi %add3A_38, %add3A_153 : i32
        %mul3A_155 = arith.constant 16384 : i32
        %mul3A_156 = arith.muli %add3A_154, %mul3A_155 : i32
        %add3A_157 = arith.addi %mul3A_2, %mul3A_156 : i32
        %dma_start3A_158 = arith.constant 2 : i32
        %dma_start3A_159 = arith.constant 0 : i32
        %dma_start3A_160 = tpu.memref_slice %arg4[%arg1, %dma_start3A_158, %dma_start3A_159] : memref<16x4x16384xf32, #tpu.memory_space<vmem_shared>> -> memref<1x1x16384xf32, #tpu.memory_space<vmem_shared>>
        %dma_start3A_161 = tpu.memref_squeeze %dma_start3A_160 : memref<1x1x16384xf32, #tpu.memory_space<vmem_shared>> -> memref<16384xf32, #tpu.memory_space<vmem_shared>>
        %dma_start3A_162 = tpu.memref_slice %arg2[%add3A_157] : memref<33554432xf32, #tpu.memory_space<hbm>> -> memref<16384xf32, #tpu.memory_space<hbm>>
        tpu.enqueue_dma source(%dma_start3A_162 : memref<16384xf32, #tpu.memory_space<hbm>>) target(%dma_start3A_161 : memref<16384xf32, #tpu.memory_space<vmem_shared>>) target_semaphore(%arg7 : memref<!tpu.dma_semaphore, #tpu.memory_space<semaphore_mem>>)
      } else {
      }
      %add3A_63 = arith.constant 1 : i32
      %add3A_64 = arith.addi %mul3A_36, %add3A_63 : i32
      %mul3A_65 = arith.constant 16384 : i32
      %mul3A_66 = arith.muli %add3A_64, %mul3A_65 : i32
      %add3A_67 = arith.addi %mul3A_2, %mul3A_66 : i32
      %dma_wait3A_68 = arith.constant 1 : i32
      %dma_wait3A_69 = arith.constant 0 : i32
      %dma_wait3A_70 = tpu.memref_slice %arg4[%arg1, %dma_wait3A_68, %dma_wait3A_69] : memref<16x4x16384xf32, #tpu.memory_space<vmem_shared>> -> memref<1x1x16384xf32, #tpu.memory_space<vmem_shared>>
      %dma_wait3A_71 = tpu.memref_squeeze %dma_wait3A_70 : memref<1x1x16384xf32, #tpu.memory_space<vmem_shared>> -> memref<16384xf32, #tpu.memory_space<vmem_shared>>
      %dma_wait3A_72 = tpu.memref_slice %arg2[%add3A_67] : memref<33554432xf32, #tpu.memory_space<hbm>> -> memref<16384xf32, #tpu.memory_space<hbm>>
      tpu.wait_dma2 semaphore(%arg6 : memref<!tpu.dma_semaphore, #tpu.memory_space<semaphore_mem>>) src(%dma_wait3A_72 : memref<16384xf32, #tpu.memory_space<hbm>>) dst(%dma_wait3A_71 : memref<16384xf32, #tpu.memory_space<vmem_shared>>)
      %mul3A_73 = arith.constant 16384 : i32
      %mul3A_74 = arith.muli %add3A_64, %mul3A_73 : i32
      %add3A_75 = arith.addi %mul3A_2, %mul3A_74 : i32
      %dma_start3A_76 = arith.constant 1 : i32
      %dma_start3A_77 = tpu.memref_slice %arg3[%add3A_75] : memref<33554432xf32, #tpu.memory_space<hbm>> -> memref<16384xf32, #tpu.memory_space<hbm>>
      %dma_start3A_78 = arith.constant 0 : i32
      %dma_start3A_79 = tpu.memref_slice %arg4[%arg1, %dma_start3A_76, %dma_start3A_78] : memref<16x4x16384xf32, #tpu.memory_space<vmem_shared>> -> memref<1x1x16384xf32, #tpu.memory_space<vmem_shared>>
      %dma_start3A_80 = tpu.memref_squeeze %dma_start3A_79 : memref<1x1x16384xf32, #tpu.memory_space<vmem_shared>> -> memref<16384xf32, #tpu.memory_space<vmem_shared>>
      tpu.enqueue_dma source(%dma_start3A_80 : memref<16384xf32, #tpu.memory_space<vmem_shared>>) target(%dma_start3A_77 : memref<16384xf32, #tpu.memory_space<hbm>>) target_semaphore(%arg10 : memref<!tpu.dma_semaphore, #tpu.memory_space<semaphore_mem>>)
      %ge3A_81 = arith.constant 2 : i32
      %ge3A_82 = arith.cmpi sge, %add3A_64, %ge3A_81 : i32
      %convert_element_type3A_83 = arith.extui %ge3A_82 : i1 to i32
      %cond3A_84 = arith.constant 0 : i32
      %cond3A_85 = arith.cmpi ne, %convert_element_type3A_83, %cond3A_84 : i32
      scf.if %cond3A_85 {
        %sub3A = arith.constant 2 : i32
        %sub3A_153 = arith.subi %add3A_64, %sub3A : i32
        %mul3A_154 = arith.constant 16384 : i32
        %mul3A_155 = arith.muli %sub3A_153, %mul3A_154 : i32
        %add3A_156 = arith.addi %mul3A_2, %mul3A_155 : i32
        %dma_wait3A_157 = arith.constant 3 : i32
        %dma_wait3A_158 = tpu.memref_slice %arg3[%add3A_156] : memref<33554432xf32, #tpu.memory_space<hbm>> -> memref<16384xf32, #tpu.memory_space<hbm>>
        %dma_wait3A_159 = arith.constant 0 : i32
        %dma_wait3A_160 = tpu.memref_slice %arg4[%arg1, %dma_wait3A_157, %dma_wait3A_159] : memref<16x4x16384xf32, #tpu.memory_space<vmem_shared>> -> memref<1x1x16384xf32, #tpu.memory_space<vmem_shared>>
        %dma_wait3A_161 = tpu.memref_squeeze %dma_wait3A_160 : memref<1x1x16384xf32, #tpu.memory_space<vmem_shared>> -> memref<16384xf32, #tpu.memory_space<vmem_shared>>
        tpu.wait_dma2 semaphore(%arg12 : memref<!tpu.dma_semaphore, #tpu.memory_space<semaphore_mem>>) src(%dma_wait3A_161 : memref<16384xf32, #tpu.memory_space<vmem_shared>>) dst(%dma_wait3A_158 : memref<16384xf32, #tpu.memory_space<hbm>>)
      } else {
      }
      %add3A_86 = arith.constant 2 : i32
      %add3A_87 = arith.addi %add3A_64, %add3A_86 : i32
      %lt3A_88 = arith.constant 64 : i32
      %lt3A_89 = arith.cmpi slt, %add3A_87, %lt3A_88 : i32
      %convert_element_type3A_90 = arith.extui %lt3A_89 : i1 to i32
      %cond3A_91 = arith.constant 0 : i32
      %cond3A_92 = arith.cmpi ne, %convert_element_type3A_90, %cond3A_91 : i32
      scf.if %cond3A_92 {
        %add3A_153 = arith.constant 2 : i32
        %add3A_154 = arith.addi %add3A_64, %add3A_153 : i32
        %mul3A_155 = arith.constant 16384 : i32
        %mul3A_156 = arith.muli %add3A_154, %mul3A_155 : i32
        %add3A_157 = arith.addi %mul3A_2, %mul3A_156 : i32
        %dma_start3A_158 = arith.constant 3 : i32
        %dma_start3A_159 = arith.constant 0 : i32
        %dma_start3A_160 = tpu.memref_slice %arg4[%arg1, %dma_start3A_158, %dma_start3A_159] : memref<16x4x16384xf32, #tpu.memory_space<vmem_shared>> -> memref<1x1x16384xf32, #tpu.memory_space<vmem_shared>>
        %dma_start3A_161 = tpu.memref_squeeze %dma_start3A_160 : memref<1x1x16384xf32, #tpu.memory_space<vmem_shared>> -> memref<16384xf32, #tpu.memory_space<vmem_shared>>
        %dma_start3A_162 = tpu.memref_slice %arg2[%add3A_157] : memref<33554432xf32, #tpu.memory_space<hbm>> -> memref<16384xf32, #tpu.memory_space<hbm>>
        tpu.enqueue_dma source(%dma_start3A_162 : memref<16384xf32, #tpu.memory_space<hbm>>) target(%dma_start3A_161 : memref<16384xf32, #tpu.memory_space<vmem_shared>>) target_semaphore(%arg8 : memref<!tpu.dma_semaphore, #tpu.memory_space<semaphore_mem>>)
      } else {
      }
      %add3A_93 = arith.constant 2 : i32
      %add3A_94 = arith.addi %mul3A_36, %add3A_93 : i32
      %mul3A_95 = arith.constant 16384 : i32
      %mul3A_96 = arith.muli %add3A_94, %mul3A_95 : i32
      %add3A_97 = arith.addi %mul3A_2, %mul3A_96 : i32
      %dma_wait3A_98 = arith.constant 2 : i32
      %dma_wait3A_99 = arith.constant 0 : i32
      %dma_wait3A_100 = tpu.memref_slice %arg4[%arg1, %dma_wait3A_98, %dma_wait3A_99] : memref<16x4x16384xf32, #tpu.memory_space<vmem_shared>> -> memref<1x1x16384xf32, #tpu.memory_space<vmem_shared>>
      %dma_wait3A_101 = tpu.memref_squeeze %dma_wait3A_100 : memref<1x1x16384xf32, #tpu.memory_space<vmem_shared>> -> memref<16384xf32, #tpu.memory_space<vmem_shared>>
      %dma_wait3A_102 = tpu.memref_slice %arg2[%add3A_97] : memref<33554432xf32, #tpu.memory_space<hbm>> -> memref<16384xf32, #tpu.memory_space<hbm>>
      tpu.wait_dma2 semaphore(%arg7 : memref<!tpu.dma_semaphore, #tpu.memory_space<semaphore_mem>>) src(%dma_wait3A_102 : memref<16384xf32, #tpu.memory_space<hbm>>) dst(%dma_wait3A_101 : memref<16384xf32, #tpu.memory_space<vmem_shared>>)
      %mul3A_103 = arith.constant 16384 : i32
      %mul3A_104 = arith.muli %add3A_94, %mul3A_103 : i32
      %add3A_105 = arith.addi %mul3A_2, %mul3A_104 : i32
      %dma_start3A_106 = arith.constant 2 : i32
      %dma_start3A_107 = tpu.memref_slice %arg3[%add3A_105] : memref<33554432xf32, #tpu.memory_space<hbm>> -> memref<16384xf32, #tpu.memory_space<hbm>>
      %dma_start3A_108 = arith.constant 0 : i32
      %dma_start3A_109 = tpu.memref_slice %arg4[%arg1, %dma_start3A_106, %dma_start3A_108] : memref<16x4x16384xf32, #tpu.memory_space<vmem_shared>> -> memref<1x1x16384xf32, #tpu.memory_space<vmem_shared>>
      %dma_start3A_110 = tpu.memref_squeeze %dma_start3A_109 : memref<1x1x16384xf32, #tpu.memory_space<vmem_shared>> -> memref<16384xf32, #tpu.memory_space<vmem_shared>>
      tpu.enqueue_dma source(%dma_start3A_110 : memref<16384xf32, #tpu.memory_space<vmem_shared>>) target(%dma_start3A_107 : memref<16384xf32, #tpu.memory_space<hbm>>) target_semaphore(%arg11 : memref<!tpu.dma_semaphore, #tpu.memory_space<semaphore_mem>>)
      %ge3A_111 = arith.constant 2 : i32
      %ge3A_112 = arith.cmpi sge, %add3A_94, %ge3A_111 : i32
      %convert_element_type3A_113 = arith.extui %ge3A_112 : i1 to i32
      %cond3A_114 = arith.constant 0 : i32
      %cond3A_115 = arith.cmpi ne, %convert_element_type3A_113, %cond3A_114 : i32
      scf.if %cond3A_115 {
        %sub3A = arith.constant 2 : i32
        %sub3A_153 = arith.subi %add3A_94, %sub3A : i32
        %mul3A_154 = arith.constant 16384 : i32
        %mul3A_155 = arith.muli %sub3A_153, %mul3A_154 : i32
        %add3A_156 = arith.addi %mul3A_2, %mul3A_155 : i32
        %dma_wait3A_157 = arith.constant 0 : i32
        %dma_wait3A_158 = tpu.memref_slice %arg3[%add3A_156] : memref<33554432xf32, #tpu.memory_space<hbm>> -> memref<16384xf32, #tpu.memory_space<hbm>>
        %dma_wait3A_159 = arith.constant 0 : i32
        %dma_wait3A_160 = tpu.memref_slice %arg4[%arg1, %dma_wait3A_157, %dma_wait3A_159] : memref<16x4x16384xf32, #tpu.memory_space<vmem_shared>> -> memref<1x1x16384xf32, #tpu.memory_space<vmem_shared>>
        %dma_wait3A_161 = tpu.memref_squeeze %dma_wait3A_160 : memref<1x1x16384xf32, #tpu.memory_space<vmem_shared>> -> memref<16384xf32, #tpu.memory_space<vmem_shared>>
        tpu.wait_dma2 semaphore(%arg9 : memref<!tpu.dma_semaphore, #tpu.memory_space<semaphore_mem>>) src(%dma_wait3A_161 : memref<16384xf32, #tpu.memory_space<vmem_shared>>) dst(%dma_wait3A_158 : memref<16384xf32, #tpu.memory_space<hbm>>)
      } else {
      }
      %add3A_116 = arith.constant 2 : i32
      %add3A_117 = arith.addi %add3A_94, %add3A_116 : i32
      %lt3A_118 = arith.constant 64 : i32
      %lt3A_119 = arith.cmpi slt, %add3A_117, %lt3A_118 : i32
      %convert_element_type3A_120 = arith.extui %lt3A_119 : i1 to i32
      %cond3A_121 = arith.constant 0 : i32
      %cond3A_122 = arith.cmpi ne, %convert_element_type3A_120, %cond3A_121 : i32
      scf.if %cond3A_122 {
        %add3A_153 = arith.constant 2 : i32
        %add3A_154 = arith.addi %add3A_94, %add3A_153 : i32
        %mul3A_155 = arith.constant 16384 : i32
        %mul3A_156 = arith.muli %add3A_154, %mul3A_155 : i32
        %add3A_157 = arith.addi %mul3A_2, %mul3A_156 : i32
        %dma_start3A_158 = arith.constant 0 : i32
        %dma_start3A_159 = arith.constant 0 : i32
        %dma_start3A_160 = tpu.memref_slice %arg4[%arg1, %dma_start3A_158, %dma_start3A_159] : memref<16x4x16384xf32, #tpu.memory_space<vmem_shared>> -> memref<1x1x16384xf32, #tpu.memory_space<vmem_shared>>
        %dma_start3A_161 = tpu.memref_squeeze %dma_start3A_160 : memref<1x1x16384xf32, #tpu.memory_space<vmem_shared>> -> memref<16384xf32, #tpu.memory_space<vmem_shared>>
        %dma_start3A_162 = tpu.memref_slice %arg2[%add3A_157] : memref<33554432xf32, #tpu.memory_space<hbm>> -> memref<16384xf32, #tpu.memory_space<hbm>>
        tpu.enqueue_dma source(%dma_start3A_162 : memref<16384xf32, #tpu.memory_space<hbm>>) target(%dma_start3A_161 : memref<16384xf32, #tpu.memory_space<vmem_shared>>) target_semaphore(%arg5 : memref<!tpu.dma_semaphore, #tpu.memory_space<semaphore_mem>>)
      } else {
      }
      %add3A_123 = arith.constant 3 : i32
      %add3A_124 = arith.addi %mul3A_36, %add3A_123 : i32
      %mul3A_125 = arith.constant 16384 : i32
      %mul3A_126 = arith.muli %add3A_124, %mul3A_125 : i32
      %add3A_127 = arith.addi %mul3A_2, %mul3A_126 : i32
      %dma_wait3A_128 = arith.constant 3 : i32
      %dma_wait3A_129 = arith.constant 0 : i32
      %dma_wait3A_130 = tpu.memref_slice %arg4[%arg1, %dma_wait3A_128, %dma_wait3A_129] : memref<16x4x16384xf32, #tpu.memory_space<vmem_shared>> -> memref<1x1x16384xf32, #tpu.memory_space<vmem_shared>>
      %dma_wait3A_131 = tpu.memref_squeeze %dma_wait3A_130 : memref<1x1x16384xf32, #tpu.memory_space<vmem_shared>> -> memref<16384xf32, #tpu.memory_space<vmem_shared>>
      %dma_wait3A_132 = tpu.memref_slice %arg2[%add3A_127] : memref<33554432xf32, #tpu.memory_space<hbm>> -> memref<16384xf32, #tpu.memory_space<hbm>>
      tpu.wait_dma2 semaphore(%arg8 : memref<!tpu.dma_semaphore, #tpu.memory_space<semaphore_mem>>) src(%dma_wait3A_132 : memref<16384xf32, #tpu.memory_space<hbm>>) dst(%dma_wait3A_131 : memref<16384xf32, #tpu.memory_space<vmem_shared>>)
      %mul3A_133 = arith.constant 16384 : i32
      %mul3A_134 = arith.muli %add3A_124, %mul3A_133 : i32
      %add3A_135 = arith.addi %mul3A_2, %mul3A_134 : i32
      %dma_start3A_136 = arith.constant 3 : i32
      %dma_start3A_137 = tpu.memref_slice %arg3[%add3A_135] : memref<33554432xf32, #tpu.memory_space<hbm>> -> memref<16384xf32, #tpu.memory_space<hbm>>
      %dma_start3A_138 = arith.constant 0 : i32
      %dma_start3A_139 = tpu.memref_slice %arg4[%arg1, %dma_start3A_136, %dma_start3A_138] : memref<16x4x16384xf32, #tpu.memory_space<vmem_shared>> -> memref<1x1x16384xf32, #tpu.memory_space<vmem_shared>>
      %dma_start3A_140 = tpu.memref_squeeze %dma_start3A_139 : memref<1x1x16384xf32, #tpu.memory_space<vmem_shared>> -> memref<16384xf32, #tpu.memory_space<vmem_shared>>
      tpu.enqueue_dma source(%dma_start3A_140 : memref<16384xf32, #tpu.memory_space<vmem_shared>>) target(%dma_start3A_137 : memref<16384xf32, #tpu.memory_space<hbm>>) target_semaphore(%arg12 : memref<!tpu.dma_semaphore, #tpu.memory_space<semaphore_mem>>)
      %ge3A_141 = arith.constant 2 : i32
      %ge3A_142 = arith.cmpi sge, %add3A_124, %ge3A_141 : i32
      %convert_element_type3A_143 = arith.extui %ge3A_142 : i1 to i32
      %cond3A_144 = arith.constant 0 : i32
      %cond3A_145 = arith.cmpi ne, %convert_element_type3A_143, %cond3A_144 : i32
      scf.if %cond3A_145 {
        %sub3A = arith.constant 2 : i32
        %sub3A_153 = arith.subi %add3A_124, %sub3A : i32
        %mul3A_154 = arith.constant 16384 : i32
        %mul3A_155 = arith.muli %sub3A_153, %mul3A_154 : i32
        %add3A_156 = arith.addi %mul3A_2, %mul3A_155 : i32
        %dma_wait3A_157 = arith.constant 1 : i32
        %dma_wait3A_158 = tpu.memref_slice %arg3[%add3A_156] : memref<33554432xf32, #tpu.memory_space<hbm>> -> memref<16384xf32, #tpu.memory_space<hbm>>
        %dma_wait3A_159 = arith.constant 0 : i32
        %dma_wait3A_160 = tpu.memref_slice %arg4[%arg1, %dma_wait3A_157, %dma_wait3A_159] : memref<16x4x16384xf32, #tpu.memory_space<vmem_shared>> -> memref<1x1x16384xf32, #tpu.memory_space<vmem_shared>>
        %dma_wait3A_161 = tpu.memref_squeeze %dma_wait3A_160 : memref<1x1x16384xf32, #tpu.memory_space<vmem_shared>> -> memref<16384xf32, #tpu.memory_space<vmem_shared>>
        tpu.wait_dma2 semaphore(%arg10 : memref<!tpu.dma_semaphore, #tpu.memory_space<semaphore_mem>>) src(%dma_wait3A_161 : memref<16384xf32, #tpu.memory_space<vmem_shared>>) dst(%dma_wait3A_158 : memref<16384xf32, #tpu.memory_space<hbm>>)
      } else {
      }
      %add3A_146 = arith.constant 2 : i32
      %add3A_147 = arith.addi %add3A_124, %add3A_146 : i32
      %lt3A_148 = arith.constant 64 : i32
      %lt3A_149 = arith.cmpi slt, %add3A_147, %lt3A_148 : i32
      %convert_element_type3A_150 = arith.extui %lt3A_149 : i1 to i32
      %cond3A_151 = arith.constant 0 : i32
      %cond3A_152 = arith.cmpi ne, %convert_element_type3A_150, %cond3A_151 : i32
      scf.if %cond3A_152 {
        %add3A_153 = arith.constant 2 : i32
        %add3A_154 = arith.addi %add3A_124, %add3A_153 : i32
        %mul3A_155 = arith.constant 16384 : i32
        %mul3A_156 = arith.muli %add3A_154, %mul3A_155 : i32
        %add3A_157 = arith.addi %mul3A_2, %mul3A_156 : i32
        %dma_start3A_158 = arith.constant 1 : i32
        %dma_start3A_159 = arith.constant 0 : i32
        %dma_start3A_160 = tpu.memref_slice %arg4[%arg1, %dma_start3A_158, %dma_start3A_159] : memref<16x4x16384xf32, #tpu.memory_space<vmem_shared>> -> memref<1x1x16384xf32, #tpu.memory_space<vmem_shared>>
        %dma_start3A_161 = tpu.memref_squeeze %dma_start3A_160 : memref<1x1x16384xf32, #tpu.memory_space<vmem_shared>> -> memref<16384xf32, #tpu.memory_space<vmem_shared>>
        %dma_start3A_162 = tpu.memref_slice %arg2[%add3A_157] : memref<33554432xf32, #tpu.memory_space<hbm>> -> memref<16384xf32, #tpu.memory_space<hbm>>
        tpu.enqueue_dma source(%dma_start3A_162 : memref<16384xf32, #tpu.memory_space<hbm>>) target(%dma_start3A_161 : memref<16384xf32, #tpu.memory_space<vmem_shared>>) target_semaphore(%arg6 : memref<!tpu.dma_semaphore, #tpu.memory_space<semaphore_mem>>)
      } else {
      }
    }
    %scan3A_20 = arith.constant 16 : i32
    %add3A_21 = arith.constant 1015808 : i32
    %add3A_22 = arith.addi %mul3A_2, %add3A_21 : i32
    %dma_wait3A = arith.constant 2 : i32
    %dma_wait3A_23 = tpu.memref_slice %arg3[%add3A_22] : memref<33554432xf32, #tpu.memory_space<hbm>> -> memref<16384xf32, #tpu.memory_space<hbm>>
    %dma_wait3A_24 = arith.constant 0 : i32
    %dma_wait3A_25 = tpu.memref_slice %arg4[%arg1, %dma_wait3A, %dma_wait3A_24] : memref<16x4x16384xf32, #tpu.memory_space<vmem_shared>> -> memref<1x1x16384xf32, #tpu.memory_space<vmem_shared>>
    %dma_wait3A_26 = tpu.memref_squeeze %dma_wait3A_25 : memref<1x1x16384xf32, #tpu.memory_space<vmem_shared>> -> memref<16384xf32, #tpu.memory_space<vmem_shared>>
    tpu.wait_dma2 semaphore(%arg11 : memref<!tpu.dma_semaphore, #tpu.memory_space<semaphore_mem>>) src(%dma_wait3A_26 : memref<16384xf32, #tpu.memory_space<vmem_shared>>) dst(%dma_wait3A_23 : memref<16384xf32, #tpu.memory_space<hbm>>)
    %add3A_27 = arith.constant 1032192 : i32
    %add3A_28 = arith.addi %mul3A_2, %add3A_27 : i32
    %dma_wait3A_29 = arith.constant 3 : i32
    %dma_wait3A_30 = tpu.memref_slice %arg3[%add3A_28] : memref<33554432xf32, #tpu.memory_space<hbm>> -> memref<16384xf32, #tpu.memory_space<hbm>>
    %dma_wait3A_31 = arith.constant 0 : i32
    %dma_wait3A_32 = tpu.memref_slice %arg4[%arg1, %dma_wait3A_29, %dma_wait3A_31] : memref<16x4x16384xf32, #tpu.memory_space<vmem_shared>> -> memref<1x1x16384xf32, #tpu.memory_space<vmem_shared>>
    %dma_wait3A_33 = tpu.memref_squeeze %dma_wait3A_32 : memref<1x1x16384xf32, #tpu.memory_space<vmem_shared>> -> memref<16384xf32, #tpu.memory_space<vmem_shared>>
    tpu.wait_dma2 semaphore(%arg12 : memref<!tpu.dma_semaphore, #tpu.memory_space<semaphore_mem>>) src(%dma_wait3A_33 : memref<16384xf32, #tpu.memory_space<vmem_shared>>) dst(%dma_wait3A_30 : memref<16384xf32, #tpu.memory_space<hbm>>)
    return
  }
}

</mosaic_0001>

<sc_bundles>
// kernel: kernel.3.cloned.1.call-start
scs
__scs_entry_jumppad:
0x0: {  	(pc) =	sbr.rel $0x88, $3  }
0x1: {  	(tag) =	ssettag $0x0;
	lr =	simm.s32 $0x1  }
0x2: {  	[smem:$0x3FA0] =	sst lr;
	_ =	strace $0xD0000000  }
0x3: {  	_ = 	snop  }
0x4: {  	_ = 	snop  }
0x5: {  	_ = 	snop  }
0x6: {  	_ = 	snop  }
0x7: {  	_ = 	snop  }
__scs_overlays_trampoline_lowered:
0x8: {  	[smem:$0x3FAF] =	sst s0  }
0x9: {  	[smem:$0x3FB0] =	sst s1  }
0xa: {  	[smem:$0x3FB1] =	sst s2  }
0xb: {  	[smem:$0x3FB2] =	sst s3  }
0xc: {  	[smem:$0x3FB3] =	sst s4  }
0xd: {  	[smem:$0x3FB4] =	sst s5  }
0xe: {  	[smem:$0x3FB5] =	sst s6  }
0xf: {  	[smem:$0x3FB6] =	sst s7  }
0x10: {  	[smem:$0x3FB7] =	sst s8  }
0x11: {  	[smem:$0x3FB8] =	sst s9;
	s0 =	simm.s32 @!p0 $0x0  }
0x12: {  	s1 =	sld [smem:$0x3F9E];
	s0 =	simm.s32 @p0 $0x1  }
0x13: {  	[smem:$0x3FB9] =	sst s0;
	s0 =	simm.s32 @!p1 $0x0  }
0x14: {  	s2 =	sld [smem:$0x3F9D];
	s0 =	simm.s32 @p1 $0x1  }
0x15: {  	[smem:$0x3FBA] =	sst s0;
	s0 =	simm.s32 @!p2 $0x0  }
0x16: {  	s3 =	sld [smem:$0x3FDB];
	s0 =	simm.s32 @p2 $0x1  }
0x17: {  	s4 =	simm.s32 $0x1BF5;
	[smem:$0x3FBC] =	sst s0  }
0x18: {  	s0 =	sld [smem:$0x3F9F];
	_ =	swait.ge [sflag:s4], $0x0  }
0x19: {  	s7 =	sld [smem:$0x3FA0]  }
0x1a: {  	s8 =	sadd.s32 $0xFFFFE003, lr  }
0x1b: {  	s9 =	sadd.s32 $0xFFFFFEF7, lr;
	s5 =	simm.s32 $0xFFFFFFFF;
	p2 =	slt.u32 s8, $0xFFFFF086  }
0x1c: {  	p1 =	slt.u32 s9, $0xF7A;
	s5 =	simm.s32 @!p2 $0x0  }
0x1d: {  	s5 =	simm.s32 @p1 $0x1;
	p0 =	seq.s32 s7, s2  }
0x1e: {  	s7 =	smul.u32 @!p0 $0xF7A, s2;
	p2 =	seq.s32 @!p0 s5, $0x0  }
0x1f: {  	s9 =	smul.u32 $0xF7A, s1;
	s8 =	simm.s32 @!p0 $0x1BF5;
	p2 =	por !p2, p0  }
0x20: {  	[sflag:s8] =	ssyncset.s32 @!p0 $0xFFFFF086;
	s6 =	sadd.s32 @!p0 s3, s7;
	s7 =	simm.s32 @!p0 $0x108  }
0x21: {  	s3 =	sadd.s32 s3, s9;
	s6 =	sadd.s32 @!p0 $0x88, s6;
	s7 =	simm.s32 @p2 $0x1082  }
0x22: {  	[simem:s7], [sflag:s8] =	dma.local @!p0 [hbm:s6], $0xF7A  }
0x23: {  	s9 =	sor.u32 $0xD0000000, s2;
	s6 =	simm.s32 $0x108;
	_ =	swait.ge @!p0 [sflag:s8], $0x0  }
0x24: {  	s3 =	sadd.s32 $0x88, s3;
	s6 =	simm.s32 @!p1 $0x1082;
	[sflag:s4] =	ssyncset.s32 $0xFFFFF086  }
0x25: {  	[simem:s6], [sflag:s4] =	dma.local [hbm:s3], $0xF7A  }
0x26: {  	[smem:$0x3FA0] =	sst s1;
	(tag) =	ssettag s2;
	_ =	strace s9  }
0x27: {  	s1 =	sld [smem:$0x3FB0]  }
0x28: {  	s2 =	sld [smem:$0x3FB1]  }
0x29: {  	s4 =	sld [smem:$0x3FB3]  }
0x2a: {  	p0 =	seq.s32 s5, $0x0;
	s5 =	sld [smem:$0x3FB4]  }
0x2b: {  	s6 =	sld [smem:$0x3FB5]  }
0x2c: {  	s7 =	sld [smem:$0x3FB6]  }
0x2d: {  	s3 =	simm.s32 $0x108;
	s8 =	sld [smem:$0x3FB7]  }
0x2e: {  	s3 =	simm.s32 @!p0 $0x1082;
	s9 =	sld [smem:$0x3FB8]  }
0x2f: {  	lr =	sadd.s32 s0, s3;
	s0 =	sld [smem:$0x3FAF]  }
0x30: {  	s3 =	sld [smem:$0x3FB2]  }
0x31: {  	[smem:$0x3FBB] =	sst s10  }
0x32: {  	s10 =	sld [smem:$0x3FB9];
	_ =	sdelay $0x3  }
0x33: {  	p0 =	seq.s32 s10, $0x1;
	s10 =	sld [smem:$0x3FBB];
	_ =	sdelay $0x3  }
0x34: {  	[smem:$0x3FBB] =	sst s10  }
0x35: {  	s10 =	sld [smem:$0x3FBA];
	_ =	sdelay $0x3  }
0x36: {  	p1 =	seq.s32 s10, $0x1;
	s10 =	sld [smem:$0x3FBB];
	_ =	sdelay $0x3  }
0x37: {  	[smem:$0x3FBB] =	sst s10  }
0x38: {  	s10 =	sld [smem:$0x3FBC]  }
0x39: {  	_ = 	snop;
	(pc) =	sbr.ind lr, $3  }
0x3a: {  	_ = 	snop  }
0x3b: {  	_ = 	snop  }
0x3c: {  	p2 =	seq.s32 s10, $0x1;
	s10 =	sld [smem:$0x3FBB]  }
0x3d: {  	_ =	shalt  }
0x3e: {  	_ =	shalt  }
0x3f: {  	_ =	shalt  }
0x40: {  	_ =	shalt  }
0x41: {  	_ =	shalt  }
0x42: {  	_ =	shalt  }
0x43: {  	_ =	shalt  }
0x44: {  	_ =	shalt  }
0x45: {  	_ =	shalt  }
0x46: {  	_ =	shalt  }
0x47: {  	_ =	shalt  }
0x48: {  	_ =	shalt  }
0x49: {  	_ =	shalt  }
0x4a: {  	_ =	shalt  }
0x4b: {  	_ =	shalt  }
0x4c: {  	_ =	shalt  }
0x4d: {  	_ =	shalt  }
0x4e: {  	_ =	shalt  }
0x4f: {  	_ =	shalt  }
0x50: {  	_ =	shalt  }
0x51: {  	_ =	shalt  }
0x52: {  	_ =	shalt  }
0x53: {  	_ =	shalt  }
0x54: {  	_ =	shalt  }
0x55: {  	_ =	shalt  }
0x56: {  	_ =	shalt  }
0x57: {  	_ =	shalt  }
0x58: {  	_ =	shalt  }
0x59: {  	_ =	shalt  }
0x5a: {  	_ =	shalt  }
0x5b: {  	_ =	shalt  }
0x5c: {  	_ =	shalt  }
0x5d: {  	_ =	shalt  }
0x5e: {  	_ =	shalt  }
0x5f: {  	_ =	shalt  }
0x60: {  	_ =	shalt  }
0x61: {  	_ =	shalt  }
0x62: {  	_ =	shalt  }
0x63: {  	_ =	shalt  }
0x64: {  	_ =	shalt  }
0x65: {  	_ =	shalt  }
0x66: {  	_ =	shalt  }
0x67: {  	_ =	shalt  }
0x68: {  	_ =	shalt  }
0x69: {  	_ =	shalt  }
0x6a: {  	_ =	shalt  }
0x6b: {  	_ =	shalt  }
0x6c: {  	_ =	shalt  }
0x6d: {  	_ =	shalt  }
0x6e: {  	_ =	shalt  }
0x6f: {  	_ =	shalt  }
0x70: {  	_ =	shalt  }
0x71: {  	_ =	shalt  }
0x72: {  	_ =	shalt  }
0x73: {  	_ =	shalt  }
0x74: {  	_ =	shalt  }
0x75: {  	_ =	shalt  }
0x76: {  	_ =	shalt  }
0x77: {  	_ =	shalt  }
0x78: {  	_ =	shalt  }
0x79: {  	_ =	shalt  }
0x7a: {  	_ =	shalt  }
0x7b: {  	_ =	shalt  }
0x7c: {  	_ =	shalt  }
0x7d: {  	_ =	shalt  }
0x7e: {  	_ =	shalt  }
0x7f: {  	_ =	shalt  }
0x80: {  	_ =	shalt  }
0x81: {  	_ =	shalt  }
0x82: {  	_ =	shalt  }
0x83: {  	_ =	shalt  }
0x84: {  	_ =	shalt  }
0x85: {  	_ =	shalt  }
0x86: {  	_ =	shalt  }
0x87: {  	_ =	shalt  }
.Lfunc_end0:
.L_simem_size_0:
called_computation.1_lowered:
.L_overlay_start_0:
0x88: {  	s2 =	sld [smem:$0x3FD9]  }
0x89: {  	s3 =	sld [smem:$0x3FFE];
	_ =	sdelay $0x1  }
0x8a: {  	s1 =	srdreg.scid  }
0x8b: {  	s0 =	sand.u32 $0x1, s1  }
0x8c: {  	s17 =	sshll.u32 s0, $0xA;
	s2 =	sadd.s32 s3, s2  }
0x8d: {  	s2 =	sadd.s32 s2, s17  }
0x8e: {  	[smem:$0x3FC7] =	sst s2  }
0x8f: {  	_ = 	snop  }
0x90: {  	s2 =	sld [smem:$0x3FD0];
	(tm) =	ssettm $0x1  }
0x91: {  	s18 =	sld [smem:$0x3FFB];
	_ =	sdelay $0x3  }
0x92: {  	_ =	strace s18  }
0x93: {  	s3 =	sld [smem:$0x3FFC];
	_ =	sdelay $0x3  }
0x94: {  	_ =	strace s3  }
0x95: {  	s3 =	sld [smem:$0x3FFD];
	_ =	sdelay $0x3  }
0x96: {  	_ =	strace s3  }
0x97: {  	_ =	strace $0x8FFFFFFF  }
0x98: {  	s19 =	sld [smem:$0x3FDB];
	_ =	sdelay $0x1  }
0x99: {  	s4 =	simm.s32 $_scs_section_size  }
0x9a: {  	s5 =	simm.s32 $_size__tile_overlayer_lowered;
	s6 =	simm.s32 $_tile_overlayer_lowered  }
0x9b: {  	s22 =	simm.s32 $0x1BFF;
	s21 =	sshll.u32 s6, $0x1;
	s3 =	sadd.s32 s4, s19  }
0x9c: {  	s7 =	simm.s32 $0x0;
	s20 =	sshll.u32 s5, $0x1;
	s5 =	sadd.s32 s21, s3  }
0x9d: {  	[timem:s7], [sflag:s22] =	dma.local [hbm:s5], s20  }
0x9e: {  	_ =	swait.ge [sflag:s22], s20  }
0x9f: {  	s4 =	ssub.s32 $0x0, s20;
	[sflag:s22] =	ssyncset.done $0x0  }
0xa0: {  	[sflag:s22] =	ssyncadd.s32 s4;
	_ =	sdelay $0x1  }
0xa1: {  	s23 =	simm.s32 $0x1B8B  }
0xa2: {  	_ =	swait.ge [sflag:s23], $0x1  }
0xa3: {  	[sflag:s23] =	ssyncset.done $0x0  }
0xa4: {  	s25 =	simm.s32 $0x1B8E;
	s24 =	sld [smem:$0x3FFE];
	[sflag:s23] =	ssyncadd.s32 $0xFFFFFFFF  }
0xa5: {  	s26 =	simm.s32 $execute0_lowered;
	[smem:$0x3FD2] =	sst s25  }
0xa6: {  	s5 =	sshll.u32 s26, $0x1;
	_ =	strace $0x80000049;
	[dreg:$0x1] =	wrdreg $0xFFFFFFFF  }
0xa7: {  	s28 =	simm.s32 $_size_execute0_lowered;
	s3 =	sadd.s32 s3, s5;
	[dreg:$0x0] =	wrdreg $0x0  }
0xa8: {  	s5 =	sshll.u32 s28, $0x1;
	[dreg:$0x2] =	wrdreg s3  }
0xa9: {  	[dreg:$0x3] =	wrdreg s5  }
0xaa: {  	[dreg:$0x4] =	wrdreg $0xC0  }
0xab: {  	_ =	task [dreg:s7], $0x5FFFF  }
0xac: {  	[dreg:$0x1] =	wrdreg $0xFFFFFFFF  }
0xad: {  	[dreg:$0x0] =	wrdreg $0x60  }
0xae: {  	[dreg:$0x2] =	wrdreg s2  }
0xaf: {  	[dreg:$0x3] =	wrdreg s24  }
0xb0: {  	[dreg:$0x4] =	wrdreg $0x0  }
0xb1: {  	[dreg:$0x5] =	wrdreg $0x9  }
0xb2: {  	_ =	task.clear_ibuf [dreg:s7], $0x6FFFF;
	_ =	strace $0x90000049  }
0xb3: {  	s29 =	simm.s32 $0x9;
	_ =	strace $0x8000004B  }
0xb4: {  	_ =	swait.ge [sflag:s29], $0x1  }
0xb5: {  	[sflag:s29] =	ssyncadd.s32 $0xFFFFFFFF  }
0xb6: {  	_ =	strace $0x9000004B  }
0xb7: {  	_ =	sfence  }
0xb8: {  	s30 =	sld [smem:$0x0];
	_ =	sdelay $0x2  }
0xb9: {  	s31 =	sshll.u32 s1, $0xD;
	s1 =	sshrl.u32 s1, $0x2  }
0xba: {  	s3 =	sand.u32 $0x4000, s31;
	s1 =	sadd.s32 s1, s30  }
0xbb: {  	s0 =	sor.u32 s3, s0;
	s1 =	sshll.u32 s1, $0x11  }
0xbc: {  	s0 =	sor.u32 s1, s0  }
0xbd: {  	s0 =	sadd.s32 $0x8F2B, s0  }
0xbe: {  	[sflag:s0] =	ssyncadd.remote.s32 $0x1  }
0xbf: {  	_ =	sfence.sel $0xFFFF  }
0xc0: {  	[dreg:$0x0] =	wrdreg $0xFFFFFFFF;
	(pc) =	sbr.abs _section_cstart, $3  }
0xc1: {  	[dreg:$0x1] =	wrdreg $0xFFFFFFFF  }
0xc2: {  	_ =	task.clear_ibuf [dreg:s7], $0x2FFFF;
	_ =	strace $0x9FFFFFFF  }
0xc3: {  	(tm) =	ssettm $0x7FFFFFFF  }
tec
execute0_lowered:
.L_overlay_start_1:
0x0: {  	(tag) =	ssettag $0x1  }
0x1: {  	s0 =	rddreg [dreg:$0x0]  }
0x2: {  	s1 =	rddreg [dreg:$0x1]  }
0x3: {  	s2 =	rddreg [dreg:$0x2]  }
0x4: {  	s10 =	simm.s32 $0x0;
	s3 =	srdreg.scid;
	s7 =	stileid.u32  }
0x5: {  	s28 =	simm.s32 $0x1;
	s29 =	simm.s32 $0x40;
	s30 =	simm.s32 $0x10  }
0x6: {  	s31 =	simm.s32 $0x2;
	[smem:$0x7FF] =	sst s10;
	s3 =	sand.u32 $0x1, s3  }
0x7: {  	s1 =	sadd.s32 $0x800, s1;
	s6 =	sshll.u32 s7, $0x15;
	s18 =	sshll.u32 s7, $0x10  }
0x8: {  	s20 =	sshll.u32 s7, $0x6;
	s7 =	simm.s32 $0x4;
	_ =	strace $0x8000004A  }
0x9: {  	s4 =	ssub.s32 $0x2, s3;
	s3 =	sshll.u32 s3, $0x14;
	[dreg:$0x6] =	wrdreg s20  }
0xa: {  	s5 =	sshrl.u32 s4, $0x1;
	s3 =	sor.u32 s3, s6;
	s6 =	sadd.s32 s18, s2  }
0xb: {  	s4 =	ssub.s32 s4, s5;
	s19 =	sshrl.u32 s3, $0x3;
	s5 =	sor.u32 $0x1C01, s20  }
0xc: {  	s22 =	sadd.s32 $0x80, s6;
	s24 =	sor.u32 $0x8000, s3;
	[dreg:$0x5] =	wrdreg s6  }
0xd: {  	s25 =	sor.u32 $0xC000, s3;
	s8 =	sadd.s32 $0x100, s6;
	[dreg:$0x8] =	wrdreg s5  }
0xe: {  	s26 =	sor.u32 $0x10000, s3;
	s9 =	sor.u32 $0x14000, s3;
	[dreg:$0x9] =	wrdreg s22  }
0xf: {  	s18 =	sor.u32 $0x18000, s3;
	s21 =	sadd.s32 s0, s19;
	[dreg:$0xb] =	wrdreg s8  }
0x10: {  	s12 =	sshrl.u32 s24, $0x3;
	s24 =	sadd.s32 $0x180, s6;
	[dreg:$0x7] =	wrdreg s21  }
0x11: {  	s13 =	sshrl.u32 s25, $0x3;
	s25 =	smax.u32 s4, $0x1;
	[dreg:$0x14] =	wrdreg s24  }
0x12: {  	s11 =	sadd.s32 s1, s19;
	s16 =	sshrl.u32 s26, $0x3;
	[dreg:$0x15] =	wrdreg s25  }
0x13: {  	s19 =	sshrl.u32 s9, $0x3;
	s23 =	sadd.s32 $0x800, s21;
	[dreg:$0xc] =	wrdreg s11  }
0x14: {  	s22 =	sor.u32 $0x24000, s3;
	s14 =	sadd.s32 s0, s12;
	[dreg:$0xa] =	wrdreg s23  }
0x15: {  	s8 =	simm.s32 $0x6;
	s15 =	sadd.s32 s0, s13;
	[dreg:$0xd] =	wrdreg s14  }
0x16: {  	s9 =	simm.s32 $0x8;
	s2 =	sadd.s32 s1, s12;
	[dreg:$0xe] =	wrdreg s15  }
0x17: {  	s17 =	sadd.s32 s0, s16;
	s5 =	sadd.s32 s1, s13;
	[dreg:$0xf] =	wrdreg s2  }
0x18: {  	s21 =	sor.u32 $0x20000, s3;
	s3 =	sor.u32 $0x1C000, s3;
	[dreg:$0x10] =	wrdreg s17  }
0x19: {  	s26 =	sadd.s32 $0x800, s11;
	[dreg:$0x11] =	wrdreg s5;
	s2 =	sshrl.u32 s18, $0x3  }
0x1a: {  	s5 =	sadd.s32 s0, s19;
	s19 =	sadd.s32 s16, s1;
	[dreg:$0x16] =	wrdreg s26  }
.Ltmp0:
0x1b: {  	s23 =	sshrl.u32 s3, $0x3;
	[dreg:$0x12] =	wrdreg s5;
	(pc) =	sbr.rel .LBB2_1-.Ltmp0, $4  }
0x1c: {  	s20 =	sadd.s32 s2, s1;
	s18 =	sadd.s32 s2, s0;
	s2 =	sshrl.u32 s21, $0x3  }
0x1d: {  	s5 =	sshrl.u32 s22, $0x3;
	s22 =	sadd.s32 s23, s1;
	s23 =	sadd.s32 s23, s0  }
0x1e: {  	[dreg:$0x13] =	wrdreg s20;
	s20 =	sadd.s32 s2, s0;
	s21 =	sadd.s32 s5, s0  }
0x1f: {  	s0 =	simm.s32 $0x3;
	s2 =	simm.s32 $0x5;
	s5 =	simm.s32 $0x7  }
.LBB2_4:
0x20: {  	_ =	swait.ge [sflag:s7], $0x800  }
0x21: {  	[sflag:s7] =	ssyncset.done $0x0  }
0x22: {  	[sflag:s7] =	ssyncadd.s32 $0xFFFFF800  }
0x23: {  	[hbm:s4@s30], [sflag:s26] =	dma.strided [spmem:s15@s29], $0x800, s28, $0x10   }
0x24: {  	_ =	swait.ge [sflag:s8], $0x800  }
0x25: {  	[sflag:s8] =	ssyncset.done $0x0  }
0x26: {  	[sflag:s8] =	ssyncadd.s32 $0xFFFFF800  }
0x27: {  	_ =	swait.ge [sflag:s5], $0x800  }
0x28: {  	[sflag:s5] =	ssyncset.done $0x0  }
0x29: {  	[sflag:s5] =	ssyncadd.s32 $0xFFFFF800  }
0x2a: {  	_ =	swait.ge [sflag:s9], $0x800  }
0x2b: {  	s10 =	rddreg [dreg:$0x4]  }
0x2c: {  	s1 =	rddreg [dreg:$0x15];
	s10 =	sadd.s32 $0x1, s10  }
0x2d: {  	p0 =	sne.s32 s10, s1  }
.Ltmp1:
0x2e: {  	_ = 	snop;
	(pc) =	sbr.rel @!p0 .LBB2_5-.Ltmp1, $3  }
0x2f: {  	_ =	sdelay $0x1  }
0x30: {  	[sflag:s9] =	ssyncset.done $0x0  }
0x31: {  	[sflag:s9] =	ssyncadd.s32 $0xFFFFF800  }
.LBB2_1:
0x32: {  	[dreg:$0x4] =	wrdreg s10  }
0x33: {  	s1 =	rddreg [dreg:$0x5]  }
0x34: {  	s15 =	rddreg [dreg:$0x7]  }
0x35: {  	s4 =	rddreg [dreg:$0x8];
	s11 =	sshrl.u32 s1, $0x3  }
0x36: {  	[spmem:s11@s29], [sflag:s4] =	dma.strided [hbm:s15@s30], $0x800, s28, $0x10   }
0x37: {  	s1 =	rddreg [dreg:$0x6]  }
0x38: {  	s6 =	rddreg [dreg:$0x9]  }
0x39: {  	s16 =	rddreg [dreg:$0xa];
	s3 =	sor.u32 $0x1C02, s1;
	s12 =	sshrl.u32 s6, $0x3  }
0x3a: {  	[spmem:s12@s29], [sflag:s3] =	dma.strided [hbm:s16@s30], $0x800, s28, $0x10   }
0x3b: {  	_ =	swait.ge [sflag:s28], $0x800  }
0x3c: {  	[sflag:s28] =	ssyncset.done $0x0  }
0x3d: {  	s10 =	sor.u32 $0x1C05, s1;
	s17 =	rddreg [dreg:$0xc];
	[sflag:s28] =	ssyncadd.s32 $0xFFFFF800  }
0x3e: {  	[hbm:s17@s30], [sflag:s10] =	dma.strided [spmem:s11@s29], $0x800, s28, $0x10   }
0x3f: {  	s6 =	rddreg [dreg:$0xb]  }
0x40: {  	s13 =	sor.u32 $0x1C03, s1;
	s24 =	rddreg [dreg:$0xd];
	s14 =	sshrl.u32 s6, $0x3  }
0x41: {  	[spmem:s14@s29], [sflag:s13] =	dma.strided [hbm:s24@s30], $0x800, s28, $0x10   }
0x42: {  	_ =	swait.ge [sflag:s31], $0x800  }
0x43: {  	[sflag:s31] =	ssyncset.done $0x0  }
0x44: {  	s16 =	sor.u32 $0x1C06, s1;
	s25 =	rddreg [dreg:$0x16];
	[sflag:s31] =	ssyncadd.s32 $0xFFFFF800  }
0x45: {  	[hbm:s25@s30], [sflag:s16] =	dma.strided [spmem:s12@s29], $0x800, s28, $0x10   }
0x46: {  	s6 =	rddreg [dreg:$0x14]  }
0x47: {  	s24 =	sor.u32 $0x1C04, s1;
	s26 =	rddreg [dreg:$0xe];
	s15 =	sshrl.u32 s6, $0x3  }
0x48: {  	[spmem:s15@s29], [sflag:s24] =	dma.strided [hbm:s26@s30], $0x800, s28, $0x10   }
0x49: {  	_ =	swait.ge [sflag:s0], $0x800  }
0x4a: {  	[sflag:s0] =	ssyncset.done $0x0  }
0x4b: {  	s25 =	sor.u32 $0x1C07, s1;
	s17 =	rddreg [dreg:$0xf];
	[sflag:s0] =	ssyncadd.s32 $0xFFFFF800  }
0x4c: {  	[hbm:s17@s30], [sflag:s25] =	dma.strided [spmem:s14@s29], $0x800, s28, $0x10   }
0x4d: {  	_ =	swait.ge [sflag:s2], $0x800  }
0x4e: {  	[sflag:s2] =	ssyncset.done $0x0  }
0x4f: {  	s26 =	rddreg [dreg:$0x10];
	[sflag:s2] =	ssyncadd.s32 $0xFFFFF800  }
0x50: {  	[spmem:s11@s29], [sflag:s4] =	dma.strided [hbm:s26@s30], $0x800, s28, $0x10   }
0x51: {  	_ =	swait.ge [sflag:s7], $0x800  }
0x52: {  	[sflag:s7] =	ssyncset.done $0x0  }
0x53: {  	s26 =	sor.u32 $0x1C08, s1;
	s6 =	rddreg [dreg:$0x11];
	[sflag:s7] =	ssyncadd.s32 $0xFFFFF800  }
0x54: {  	[hbm:s6@s30], [sflag:s26] =	dma.strided [spmem:s15@s29], $0x800, s28, $0x10   }
0x55: {  	_ =	swait.ge [sflag:s8], $0x800  }
0x56: {  	[sflag:s8] =	ssyncset.done $0x0  }
0x57: {  	s1 =	simm.s32 $0x0;
	s17 =	rddreg [dreg:$0x12];
	[sflag:s8] =	ssyncadd.s32 $0xFFFFF800  }
0x58: {  	[spmem:s12@s29], [sflag:s3] =	dma.strided [hbm:s17@s30], $0x800, s28, $0x10   }
.LBB2_2:
0x59: {  	_ =	swait.ge [sflag:s28], $0x800  }
0x5a: {  	[sflag:s28] =	ssyncset.done $0x0  }
0x5b: {  	s4 =	sadd.s32 s1, s19;
	[sflag:s28] =	ssyncadd.s32 $0xFFFFF800  }
0x5c: {  	[hbm:s4@s30], [sflag:s10] =	dma.strided [spmem:s11@s29], $0x800, s28, $0x10   }
0x5d: {  	_ =	swait.ge [sflag:s5], $0x800  }
0x5e: {  	[sflag:s5] =	ssyncset.done $0x0  }
0x5f: {  	s6 =	sadd.s32 s1, s18;
	[sflag:s5] =	ssyncadd.s32 $0xFFFFF800  }
0x60: {  	[spmem:s14@s29], [sflag:s13] =	dma.strided [hbm:s6@s30], $0x800, s28, $0x10   }
0x61: {  	_ =	swait.ge [sflag:s31], $0x800  }
0x62: {  	[sflag:s31] =	ssyncset.done $0x0  }
0x63: {  	s4 =	sadd.s32 $0x800, s4;
	[sflag:s31] =	ssyncadd.s32 $0xFFFFF800  }
0x64: {  	[hbm:s4@s30], [sflag:s16] =	dma.strided [spmem:s12@s29], $0x800, s28, $0x10   }
0x65: {  	_ =	swait.ge [sflag:s9], $0x800  }
0x66: {  	[sflag:s9] =	ssyncset.done $0x0  }
0x67: {  	s6 =	sadd.s32 s1, s23;
	[sflag:s9] =	ssyncadd.s32 $0xFFFFF800  }
0x68: {  	[spmem:s15@s29], [sflag:s24] =	dma.strided [hbm:s6@s30], $0x800, s28, $0x10   }
0x69: {  	_ =	swait.ge [sflag:s0], $0x800  }
0x6a: {  	p0 =	seq.s32 s1, $0x1C000;
	[sflag:s0] =	ssyncset.done $0x0;
	s17 =	rddreg [dreg:$0x13]  }
.Ltmp2:
0x6b: {  	[sflag:s0] =	ssyncadd.s32 $0xFFFFF800;
	s4 =	sadd.s32 s1, s17;
	(pc) =	sbr.rel @p0 .LBB2_4-.Ltmp2, $4  }
0x6c: {  	[hbm:s4@s30], [sflag:s25] =	dma.strided [spmem:s14@s29], $0x800, s28, $0x10   }
0x6d: {  	_ =	swait.ge [sflag:s2], $0x800  }
0x6e: {  	[sflag:s2] =	ssyncset.done $0x0  }
0x6f: {  	s4 =	sadd.s32 s1, s22;
	[sflag:s2] =	ssyncadd.s32 $0xFFFFF800  }
0x70: {  	s6 =	sadd.s32 s1, s20;
	s17 =	rddreg [dreg:$0x8]  }
0x71: {  	[spmem:s11@s29], [sflag:s17] =	dma.strided [hbm:s6@s30], $0x800, s28, $0x10   }
0x72: {  	_ =	swait.ge [sflag:s7], $0x800  }
0x73: {  	[sflag:s7] =	ssyncset.done $0x0  }
0x74: {  	[sflag:s7] =	ssyncadd.s32 $0xFFFFF800  }
0x75: {  	[hbm:s4@s30], [sflag:s26] =	dma.strided [spmem:s15@s29], $0x800, s28, $0x10   }
.Ltmp3:
0x76: {  	_ = 	snop;
	(pc) =	sbr.rel .LBB2_2-.Ltmp3, $4  }
0x77: {  	_ =	swait.ge [sflag:s8], $0x800  }
0x78: {  	[sflag:s8] =	ssyncset.done $0x0  }
0x79: {  	s17 =	sadd.s32 s1, s21;
	s1 =	sadd.s32 $0x2000, s1;
	[sflag:s8] =	ssyncadd.s32 $0xFFFFF800  }
0x7a: {  	[spmem:s12@s29], [sflag:s3] =	dma.strided [hbm:s17@s30], $0x800, s28, $0x10   }
.LBB2_5:
0x7b: {  	_ =	sfence.sel $0x180000  }
0x7c: {  	[bflag:$0x0] =	sbarrier.arrive $0xFFFF  }
0x7d: {  	_ =	strace $0x9000004A  }
0x7e: {  	s0 =	stileid.u32;
	[bflag:$0x2] =	sbarrier.arrive $0xFFFF  }
0x7f: {  	p0 =	sne.s32 s0, $0x0;
	s0 =	rddreg [dreg:$0x3]  }
0x80: {  	s0 =	sadd.s32 @!p0 $0x100000, s0  }
0x81: {  	[sflag:s0] =	ssyncadd.tile.s32 @!p0 $0x1;
	_ =	shalt  }
.Lfunc_end2:
_tile_overlayer_lowered:
.L_overlay_start_2:
0x82: {  	(tag) =	ssettag $0x2  }
0x83: {  	s0 =	rddreg [dreg:$0x0];
	s2 =	stileid.u32  }
0x84: {  	s1 =	rddreg [dreg:$0x1];
	p0 =	sne.s32 s2, $0x0  }
0x85: {  	s3 =	rddreg [dreg:$0x2];
	[bflag:$0x3] =	sbarrier.arrive $0xFFFF;
	s2 =	simm.s32 @!p0 $0x1C09  }
0x86: {  	[timem:s3], [sflag:s2] =	dma.local @!p0 [hbm:s0], s1  }
0x87: {  	s0 =	simm.s32 @!p0 $0x9  }
0x88: {  	_ =	swait.ge @!p0 [sflag:s0], s1  }
0x89: {  	s1 =	ssub.s32 @!p0 $0x0, s1;
	[sflag:s0] =	ssyncset.done @!p0 $0x0  }
0x8a: {  	[sflag:s0] =	ssyncadd.s32 @!p0 s1  }
0x8b: {  	[bflag:$0x3] =	sbarrier.arrive $0xFFFF  }
0x8c: {  	_ =	shalt  }

// kernel: sparse-core-data-format-call.cloned.1.call-start
scs
called_computation_lowered:
.L_overlay_start_0:
0x0: {  	s2 =	sld [smem:$0x3FD9]  }
0x1: {  	s3 =	sld [smem:$0x3FFE];
	_ =	sdelay $0x1  }
0x2: {  	s1 =	srdreg.scid  }
0x3: {  	s0 =	sand.u32 $0x1, s1  }
0x4: {  	s19 =	sshll.u32 s0, $0xA;
	s2 =	sadd.s32 s3, s2  }
0x5: {  	s2 =	sadd.s32 s2, s19  }
0x6: {  	[smem:$0x3FC7] =	sst s2  }
0x7: {  	_ = 	snop  }
0x8: {  	s2 =	sld [smem:$0x3FC9]  }
0x9: {  	s20 =	sld [smem:$0x3FD0];
	(tm) =	ssettm $0x1  }
0xa: {  	s4 =	sld [smem:$0x3FFB];
	_ =	sdelay $0x3  }
0xb: {  	_ =	strace s4  }
0xc: {  	s4 =	sld [smem:$0x3FFC];
	_ =	sdelay $0x3  }
0xd: {  	_ =	strace s4  }
0xe: {  	s4 =	sld [smem:$0x3FFD];
	_ =	sdelay $0x3  }
0xf: {  	_ =	strace s4  }
0x10: {  	_ =	strace $0x8FFFFFFF  }
0x11: {  	s21 =	sld [smem:$0x3FDB];
	_ =	sdelay $0x1  }
0x12: {  	s5 =	simm.s32 $_scs_section_size  }
0x13: {  	s6 =	simm.s32 $_size__tile_overlayer_lowered;
	s7 =	simm.s32 $_tile_overlayer_lowered  }
0x14: {  	s24 =	simm.s32 $0x1BFF;
	s23 =	sshll.u32 s7, $0x1;
	s4 =	sadd.s32 s5, s21  }
0x15: {  	s8 =	simm.s32 $0x0;
	s22 =	sshll.u32 s6, $0x1;
	s6 =	sadd.s32 s23, s4  }
0x16: {  	[timem:s8], [sflag:s24] =	dma.local [hbm:s6], s22  }
0x17: {  	_ =	swait.ge [sflag:s24], s22  }
0x18: {  	s5 =	ssub.s32 $0x0, s22;
	[sflag:s24] =	ssyncset.done $0x0  }
0x19: {  	[sflag:s24] =	ssyncadd.s32 s5;
	_ =	sdelay $0x1  }
0x1a: {  	s25 =	simm.s32 $0x1B8B  }
0x1b: {  	_ =	swait.ge [sflag:s25], $0x1  }
0x1c: {  	[sflag:s25] =	ssyncset.done $0x0  }
0x1d: {  	s26 =	simm.s32 $0x1B8E;
	[sflag:s25] =	ssyncadd.s32 $0xFFFFFFFF  }
0x1e: {  	s27 =	simm.s32 $execute0_lowered;
	[smem:$0x3FD2] =	sst s26  }
0x1f: {  	s5 =	sshll.u32 s27, $0x1;
	_ =	strace $0x80000046;
	[dreg:$0x1] =	wrdreg $0xFFFFFFFF  }
0x20: {  	s28 =	simm.s32 $_size_execute0_lowered;
	s4 =	sadd.s32 s4, s5;
	[dreg:$0x0] =	wrdreg $0x0  }
0x21: {  	s5 =	sshll.u32 s28, $0x1;
	[dreg:$0x2] =	wrdreg s4  }
0x22: {  	[dreg:$0x3] =	wrdreg s5  }
0x23: {  	[dreg:$0x4] =	wrdreg $0xC0  }
0x24: {  	_ =	task [dreg:s8], $0x5FFFF  }
0x25: {  	[dreg:$0x1] =	wrdreg $0xFFFFFFFF  }
0x26: {  	[dreg:$0x0] =	wrdreg $0x60  }
0x27: {  	[dreg:$0x2] =	wrdreg s2  }
0x28: {  	[dreg:$0x3] =	wrdreg s20  }
0x29: {  	[dreg:$0x4] =	wrdreg $0x9  }
0x2a: {  	_ =	task.clear_ibuf [dreg:s8], $0x5FFFF;
	_ =	strace $0x90000046  }
0x2b: {  	s29 =	simm.s32 $0x9;
	_ =	strace $0x80000048  }
0x2c: {  	_ =	swait.ge [sflag:s29], $0x1  }
0x2d: {  	[sflag:s29] =	ssyncadd.s32 $0xFFFFFFFF  }
0x2e: {  	_ =	strace $0x90000048  }
0x2f: {  	_ =	sfence  }
0x30: {  	s30 =	sld [smem:$0x0];
	_ =	sdelay $0x2  }
0x31: {  	s31 =	sshll.u32 s1, $0xD;
	s1 =	sshrl.u32 s1, $0x2  }
0x32: {  	s3 =	sand.u32 $0x4000, s31;
	s1 =	sadd.s32 s1, s30  }
0x33: {  	s0 =	sor.u32 s3, s0;
	s1 =	sshll.u32 s1, $0x11  }
0x34: {  	s0 =	sor.u32 s1, s0  }
0x35: {  	s0 =	sadd.s32 $0x8F2B, s0  }
0x36: {  	[sflag:s0] =	ssyncadd.remote.s32 $0x1  }
0x37: {  	_ =	sfence.sel $0xFFFF  }
0x38: {  	[dreg:$0x0] =	wrdreg $0xFFFFFFFF;
	(pc) =	sbr.abs _section_cstart, $3  }
0x39: {  	[dreg:$0x1] =	wrdreg $0xFFFFFFFF  }
0x3a: {  	_ =	task.clear_ibuf [dreg:s8], $0x2FFFF;
	_ =	strace $0x9FFFFFFF  }
0x3b: {  	(tm) =	ssettm $0x7FFFFFFF  }
tec
execute0_lowered:
.L_overlay_start_1:
0x0: {  	(tag) =	ssettag $0x1  }
0x1: {  	s2 =	rddreg [dreg:$0x0]  }
0x2: {  	s3 =	rddreg [dreg:$0x1]  }
0x3: {  	s0 =	rddreg [dreg:$0x2];
	s4 =	srdreg.scid  }
.Ltmp0:
0x4: {  	_ =	strace $0x80000047;
	s1 =	stileid.u32;
	(pc) =	sbr.rel .LBB1_1-.Ltmp0, $4  }
0x5: {  	s6 =	simm.s32 $0x2;
	p0 =	por $0x0, $0x0;
	s5 =	sshll.u32 s4, $0x4  }
0x6: {  	s9 =	simm.s32 $0x0;
	s4 =	simm.s32 $0x1;
	s5 =	sand.u32 $0x10, s5  }
0x7: {  	s7 =	simm.s32 $0x0;
	[sflag:s4] =	ssyncpa.u1 $0x0;
	s5 =	sor.u32 s1, s5  }
0x8: {  	[sflag:s6] =	ssyncpa.u1 $0x0;
	s6 =	simm.s32 $0x0;
	s8 =	smov.u32 s5  }
.LBB1_7:
0x9: {  	s11 =	sadd.s32 $0x20, s8  }
0xa: {  	p1 =	slt.u32 s7, $0x2;
	s7 =	sadd.s32 $0x1, s7;
	p2 =	sgt.s32 s11, $0x7FF  }
0xb: {  	s11 =	smov.u32 @p2 s5;
	p2 =	sne.s32 s7, $0x42  }
.Ltmp1:
0xc: {  	_ = 	snop;
	(pc) =	sbr.rel @!p2 .LBB1_8-.Ltmp1, $4  }
0xd: {  	s10 =	simm.s32 @!p1 $0x2  }
0xe: {  	_ =	swait.ge @!p1 [sflag:s10], $0x4000  }
0xf: {  	s9 =	smov.u32 s8;
	[sflag:s10] =	ssyncset.done @!p1 $0x0  }
0x10: {  	p0 =	por !p0, !p0;
	s8 =	smov.u32 s11;
	[sflag:s10] =	ssyncadd.s32 @!p1 $0xFFFFC000  }
.LBB1_1:
0x11: {  	p1 =	sgt.u32 s7, $0x3F  }
0x12: {  	s10 =	sxor.u32 @!p1 $0xFFFFFFFF, s7  }
0x13: {  	s11 =	sshll.u32 @!p1 s8, $0xB;
	s10 =	sshll.u32 @!p1 s10, $0xE  }
0x14: {  	s12 =	simm.s32 @!p1 $0x0;
	s11 =	sadd.s32 @!p1 s2, s11;
	s10 =	sand.u32 @!p1 $0x4000, s10  }
0x15: {  	[tilespmem:s10], [sflag:$0x1] =	stream.linear.gather @!p1 [hbm4b:s11+s12], $0x4000, $0x38;
	[tilespmem:$0x10000] =	vst v63  }
0x16: {  	p1 =	seq.s32 s7, $0x0  }
0x17: {  	p2 =	seq.s32 @!p1 s7, $0x41  }
0x18: {  	p1 =	por p1, p2  }
.Ltmp2:
0x19: {  	_ = 	snop;
	(pc) =	sbr.rel @p1 .LBB1_7-.Ltmp2, $1  }
0x1a: {  	_ =	sdelay $0x3  }
0x1b: {  	s10 =	simm.s32 $0x1;
	_ =	swait.ge [sflag:s4], $0x4000;
	s12 =	sshll.u32 s7, $0xE  }
0x1c: {  	s13 =	simm.s32 $0x0;
	s10 =	simm.s32 @!p0 $0x0;
	[sflag:s4] =	ssyncset.done $0x0  }
0x1d: {  	s12 =	sand.u32 $0x4000, s12;
	s11 =	sshll.u32 s10, $0xE;
	[sflag:s4] =	ssyncadd.s32 $0xFFFFC000  }
0x1e: {  	s12 =	sor.u32 $0x8000, s12;
	s10 =	sor.u32 $0x8040, s11;
	s11 =	sor.u32 $0x40, s11  }
.LBB1_3:
0x1f: {  	v0 =	vmov s11;
	_ =	sdelay $0x3  }
0x20: {  	s15 =	simm.s32 $0x0  }
0x21: {  	v6 =	vld.idx.msk [tilespmem:v0+s15+$0x30 ss:$0x1], $0xffff  }
0x22: {  	v7 =	vld.idx.msk [tilespmem:v0+s15+$0xFFFFFFC0 ss:$0x1], $0xffff  }
0x23: {  	v5 =	vld.idx.msk [tilespmem:v0+s15+$0xFFFFFFD0 ss:$0x1], $0xffff  }
0x24: {  	v4 =	vld.idx.msk [tilespmem:v0+s15+$0xFFFFFFE0 ss:$0x1], $0xffff  }
0x25: {  	v3 =	vld.idx.msk [tilespmem:v0+s15+$0xFFFFFFF0 ss:$0x1], $0xffff  }
0x26: {  	v1 =	vld.idx.msk [tilespmem:v0+s15+$0x0 ss:$0x1], $0xffff  }
0x27: {  	v2 =	vld.idx.msk [tilespmem:v0+s15+$0x10 ss:$0x1], $0xffff;
	[tilespmem:s10+$0x30] =	vst v6  }
0x28: {  	s14 =	simm.s32 $0x80;
	s16 =	simm.s32 $0x400;
	[tilespmem:s10+$0xFFFFFFC0] =	vst v7;
	v6 =	vld.idx.msk [tilespmem:v0+s15+$0x20 ss:$0x1], $0xffff;
	s15 =	smov.u32 s10  }
.LBB1_4:
0x29: {  	p1 =	sne.s32 s16, $0xE00;
	v7 =	vld.idx.msk [tilespmem:v0+s14+$0x30 ss:$0x1], $0xffff;
	[tilespmem:s15+$0xFFFFFFD0] =	vst v5  }
0x2a: {  	v8 =	vld.idx.msk [tilespmem:v0+s14+$0xFFFFFFC0 ss:$0x1], $0xffff;
	[tilespmem:s15+$0xFFFFFFE0] =	vst v4  }
0x2b: {  	v5 =	vld.idx.msk [tilespmem:v0+s14+$0xFFFFFFD0 ss:$0x1], $0xffff;
	[tilespmem:s15+$0xFFFFFFF0] =	vst v3  }
.Ltmp3:
0x2c: {  	v4 =	vld.idx.msk [tilespmem:v0+s14+$0xFFFFFFE0 ss:$0x1], $0xffff;
	[tilespmem:s15+$0x0] =	vst v1;
	(pc) =	sbr.rel @p1 .LBB1_4-.Ltmp3, $4  }
0x2d: {  	v3 =	vld.idx.msk [tilespmem:v0+s14+$0xFFFFFFF0 ss:$0x1], $0xffff;
	[tilespmem:s15+$0x10] =	vst v2  }
0x2e: {  	v1 =	vld.idx.msk [tilespmem:v0+s14+$0x0 ss:$0x1], $0xffff;
	[tilespmem:s15+$0x20] =	vst v6;
	s15 =	sadd.s32 $0x800, s15  }
0x2f: {  	v2 =	vld.idx.msk [tilespmem:v0+s14+$0x10 ss:$0x1], $0xffff;
	[tilespmem:s15+$0x30] =	vst v7  }
0x30: {  	[tilespmem:s15+$0xFFFFFFC0] =	vst v8;
	v6 =	vld.idx.msk [tilespmem:v0+s14+$0x20 ss:$0x1], $0xffff;
	s14 =	sshra.s32 s16, $0x2;
	s16 =	sadd.s32 $0x200, s16  }
0x31: {  	_ =	sdelay $0x2  }
0x32: {  	[tilespmem:s15+$0xFFFFFFD0] =	vst v5  }
0x33: {  	v56 =	vld.idx.msk [tilespmem:v0+s14+$0x30 ss:$0x1], $0xffff;
	[tilespmem:s15+$0xFFFFFFE0] =	vst v4  }
0x34: {  	v57 =	vld.idx.msk [tilespmem:v0+s14+$0xFFFFFFC0 ss:$0x1], $0xffff;
	[tilespmem:s15+$0xFFFFFFF0] =	vst v3  }
0x35: {  	v58 =	vld.idx.msk [tilespmem:v0+s14+$0xFFFFFFD0 ss:$0x1], $0xffff;
	[tilespmem:s15+$0x0] =	vst v1  }
0x36: {  	v59 =	vld.idx.msk [tilespmem:v0+s14+$0xFFFFFFE0 ss:$0x1], $0xffff;
	[tilespmem:s15+$0x10] =	vst v2  }
0x37: {  	v60 =	vld.idx.msk [tilespmem:v0+s14+$0xFFFFFFF0 ss:$0x1], $0xffff;
	s31 =	sadd.s32 $0x800, s15;
	[tilespmem:s15+$0x20] =	vst v6  }
0x38: {  	v61 =	vld.idx.msk [tilespmem:v0+s14+$0x0 ss:$0x1], $0xffff;
	[tilespmem:s31+$0x30] =	vst v56  }
0x39: {  	v62 =	vld.idx.msk [tilespmem:v0+s14+$0x10 ss:$0x1], $0xffff;
	s13 =	sadd.s32 $0x1, s13;
	[tilespmem:s31+$0xFFFFFFC0] =	vst v57  }
0x3a: {  	v63 =	vld.idx.msk [tilespmem:v0+s14+$0x20 ss:$0x1], $0xffff;
	p1 =	sne.s32 s13, $0x10;
	[tilespmem:s31+$0xFFFFFFD0] =	vst v58  }
.Ltmp4:
0x3b: {  	[tilespmem:s31+$0xFFFFFFE0] =	vst v59;
	(pc) =	sbr.rel @p1 .LBB1_3-.Ltmp4, $4  }
0x3c: {  	[tilespmem:s31+$0xFFFFFFF0] =	vst v60  }
0x3d: {  	[tilespmem:s31+$0x0] =	vst v61  }
0x3e: {  	[tilespmem:s31+$0x10] =	vst v62  }
0x3f: {  	s10 =	sadd.s32 $0x80, s10;
	s11 =	sadd.s32 $0x400, s11;
	[tilespmem:s31+$0x20] =	vst v63  }
.Ltmp5:
0x40: {  	(pc) =	sbr.rel .LBB1_7-.Ltmp5, $4  }
0x41: {  	_ = 	snop  }
0x42: {  	s9 =	sshll.u32 s9, $0xB  }
0x43: {  	s9 =	sadd.s32 s3, s9  }
0x44: {  	[hbm4b:s9+s6] =	stream.linear.scatter [tilespmem:s12], [sflag:$0x2], $0x4000, $0x38;
	[tilespmem:$0x10000] =	vst v63  }
.LBB1_8:
0x45: {  	_ =	sfence.sel $0x180000  }
0x46: {  	s2 =	simm.s32 $0x1;
	[bflag:$0x0] =	sbarrier.arrive $0xFFFF  }
0x47: {  	s31 =	simm.s32 $0x2;
	[sflag:s2] =	ssyncpa.u1 $0x1  }
0x48: {  	[sflag:s31] =	ssyncpa.u1 $0x1  }
0x49: {  	p0 =	sne.s32 s1, $0x0;
	_ =	strace $0x90000047  }
0x4a: {  	s0 =	sadd.s32 @!p0 $0x100000, s0;
	[bflag:$0x2] =	sbarrier.arrive $0xFFFF  }
0x4b: {  	[sflag:s0] =	ssyncadd.tile.s32 @!p0 $0x1;
	_ =	shalt  }
.Lfunc_end1:
_tile_overlayer_lowered:
.L_overlay_start_2:
0x4c: {  	(tag) =	ssettag $0x2  }
0x4d: {  	s0 =	rddreg [dreg:$0x0];
	s2 =	stileid.u32  }
0x4e: {  	s1 =	rddreg [dreg:$0x1];
	p0 =	sne.s32 s2, $0x0  }
0x4f: {  	s3 =	rddreg [dreg:$0x2];
	[bflag:$0x3] =	sbarrier.arrive $0xFFFF;
	s2 =	simm.s32 @!p0 $0x1C01  }
0x50: {  	[timem:s3], [sflag:s2] =	dma.local @!p0 [hbm:s0], s1  }
0x51: {  	s0 =	simm.s32 @!p0 $0x1  }
0x52: {  	_ =	swait.ge @!p0 [sflag:s0], s1  }
0x53: {  	s1 =	ssub.s32 @!p0 $0x0, s1;
	[sflag:s0] =	ssyncset.done @!p0 $0x0  }
0x54: {  	[sflag:s0] =	ssyncadd.s32 @!p0 s1  }
0x55: {  	[bflag:$0x3] =	sbarrier.arrive $0xFFFF  }
0x56: {  	_ =	shalt  }

</sc_bundles>
